<compile_context>
chip_gen: v7x
topology: tpu7x:2x2x1
jax: 0.10.2.dev20260603
libtpu: 0.0.44.dev20260713+nightly
codegen_flags: <defaults>
</compile_context>

<pallas_src>
import functools

import jax
import jax.numpy as jnp
from jax import lax
from jax.experimental import pallas as pl
from jax.experimental.pallas import tpu as pltpu
from jax.experimental.pallas import tpu_sc as plsc

VOCAB = 1000000
DIM = 64
BATCH = 4096
SEQ = 200
B = BATCH * SEQ
NC = 2
NS = 16
NW = NC * NS
BPW = B // NW
CH = 128
NCHUNK = BPW // CH
NSLOT = 4
AHEAD = 3


def _emb_body(x_hbm, table_hbm, out_hbm, idx_v, rows_v, *sems):
    gsems = sems[:NSLOT]
    osems = sems[NSLOT:]
    wid = lax.axis_index("s") * NC + lax.axis_index("c")
    base = wid * BPW

    pltpu.sync_copy(x_hbm.at[pl.ds(base, BPW)], idx_v)

    def fire_gather(k, slot):
        pltpu.async_copy(
            table_hbm.at[idx_v.at[pl.ds(k * CH, CH)]], rows_v.at[slot],
            gsems[slot])

    def wait_gather(k, slot):
        pltpu.make_async_copy(
            table_hbm.at[idx_v.at[pl.ds(k * CH, CH)]], rows_v.at[slot],
            gsems[slot]).wait()

    def fire_out(k, slot):
        pltpu.async_copy(
            rows_v.at[slot], out_hbm.at[pl.ds(base + k * CH, CH)],
            osems[slot])

    def wait_out(k, slot):
        pltpu.make_async_copy(
            rows_v.at[slot], out_hbm.at[pl.ds(base + k * CH, CH)],
            osems[slot]).wait()

    for u in range(AHEAD):
        fire_gather(u, u)

    def step(i, carry):
        for u in range(NSLOT):
            k = NSLOT * i + u
            wait_gather(k, u)
            fire_out(k, u)
            ka = k + AHEAD
            sa = (u + AHEAD) % NSLOT

            @pl.when(ka < NCHUNK)
            def _():
                @pl.when(ka >= NSLOT)
                def _():
                    wait_out(ka - NSLOT, sa)

                fire_gather(ka, sa)
        return carry

    lax.fori_loop(0, NCHUNK // NSLOT, step, 0)
    for u in range(NSLOT):
        wait_out(NCHUNK - NSLOT + u, (NCHUNK - NSLOT + u) % NSLOT)


@jax.jit
def _emb(xf, tablep):
    mesh = plsc.VectorSubcoreMesh(core_axis_name="c", subcore_axis_name="s")
    kern = functools.partial(
        pl.kernel,
        out_type=jax.ShapeDtypeStruct((B, 2 * DIM), jnp.float32),
        mesh=mesh,
        scratch_types=[
            pltpu.VMEM((BPW,), jnp.int32),
            pltpu.VMEM((NSLOT, CH, 128), jnp.float32),
        ] + [pltpu.SemaphoreType.DMA] * (2 * NSLOT),
        compiler_params=pltpu.CompilerParams(
            use_tc_tiling_on_sc=True, needs_layout_passes=False),
    )(_emb_body)
    return kern(xf, tablep)


def kernel(x, table):
    xf = x.astype(jnp.int32).reshape(B)
    tablep = jnp.pad(table, ((0, 0), (0, DIM)))
    out = _emb(xf, tablep)
    return out[:, :DIM].reshape(BATCH, SEQ, DIM)

# --- scband reference (transcript-rebuilt; emitter-appended) ---
"""Pipeline reference for scband-bio-gpt-scaled-word-embedding-18468359373072 (READ-ONLY COPY).

The authoritative reference and input builder live on the scoring server;
editing this copy changes nothing except your own understanding.
"""

import jax, jax.numpy as jnp
import numpy as np

VOCAB = 1000000
DIM = 64

def setup_inputs(seed: int = 0) -> dict:
    key = jax.random.key(seed)
    k1, k2 = jax.random.split(key)
    x = jax.random.randint(k1, (4096, 200), 0, VOCAB, dtype=jnp.int64 if jax.config.jax_enable_x64 else jnp.int32)
    table = jax.random.normal(k2, (VOCAB, DIM), dtype=jnp.float32) * 0.02
    return {"x": x, "table": table}

def reference(x, table):
    # Faithful translation of nn.Embedding forward: row gather from the table.
    return jnp.take(table, x, axis=0)

if __name__ == "__main__":
    import jax
    _d = setup_inputs()
    print(jax.jit(kernel)(*tuple(_d.values())))

</pallas_src>

<mosaic_0001>
#map = affine_map<(d0, d1) -> (0)>
#map1 = affine_map<(d0, d1) -> (0, 0)>
module attributes {stable_mosaic.version = 14 : i64} {
  func.func @_emb_body(%arg0: i32, %arg1: i32, %arg2: memref<819200xi32, #tpu.memory_space<hbm>>, %arg3: memref<1000000x128xf32, #tpu.memory_space<hbm>>, %arg4: memref<819200x128xf32, #tpu.memory_space<hbm>>, %arg5: memref<25600xi32, #tpu.memory_space<vmem>>, %arg6: memref<4x128x128xf32, #tpu.memory_space<vmem>>, %arg7: memref<!tpu.dma_semaphore, #tpu.memory_space<semaphore_mem>>, %arg8: memref<!tpu.dma_semaphore, #tpu.memory_space<semaphore_mem>>, %arg9: memref<!tpu.dma_semaphore, #tpu.memory_space<semaphore_mem>>, %arg10: memref<!tpu.dma_semaphore, #tpu.memory_space<semaphore_mem>>, %arg11: memref<!tpu.dma_semaphore, #tpu.memory_space<semaphore_mem>>, %arg12: memref<!tpu.dma_semaphore, #tpu.memory_space<semaphore_mem>>, %arg13: memref<!tpu.dma_semaphore, #tpu.memory_space<semaphore_mem>>, %arg14: memref<!tpu.dma_semaphore, #tpu.memory_space<semaphore_mem>>) attributes {dimension_semantics = [#tpu.dimension_semantics<core_parallel>, #tpu.dimension_semantics<subcore_parallel>], iteration_bounds = array<i64: 2, 16>, scalar_prefetch = 0 : i64, scratch_operands = 10 : i64, tpu.core_type = #tpu.core_type<sc_vector_subcore>, window_params = [{transform_indices = #map}, {transform_indices = #map1}, {transform_indices = #map1}]} {
    %mul3A = arith.constant 2 : i32
    %mul3A_0 = arith.muli %arg1, %mul3A : i32
    %add3A = arith.addi %mul3A_0, %arg0 : i32
    %mul3A_1 = arith.constant 25600 : i32
    %mul3A_2 = arith.muli %add3A, %mul3A_1 : i32
    "tpu.region"() ({
      %run_scoped3A = tpu.sem_alloc : memref<!tpu.dma_semaphore, #tpu.memory_space<semaphore_mem>>
      %dma_start3A_96 = tpu.memref_slice %arg2[%mul3A_2] : memref<819200xi32, #tpu.memory_space<hbm>> -> memref<25600xi32, #tpu.memory_space<hbm>>
      %dma_start3A_97 = tpu.memref_slice %arg2[%mul3A_2] : memref<819200xi32, #tpu.memory_space<hbm>> -> memref<25600xi32, #tpu.memory_space<hbm>>
      tpu.enqueue_dma source(%dma_start3A_97 : memref<25600xi32, #tpu.memory_space<hbm>>) target(%arg5 : memref<25600xi32, #tpu.memory_space<vmem>>) target_semaphore(%run_scoped3A : memref<!tpu.dma_semaphore, #tpu.memory_space<semaphore_mem>>)
      %dma_wait3A_98 = tpu.memref_slice %arg2[%mul3A_2] : memref<819200xi32, #tpu.memory_space<hbm>> -> memref<25600xi32, #tpu.memory_space<hbm>>
      %dma_wait3A_99 = tpu.memref_slice %arg2[%mul3A_2] : memref<819200xi32, #tpu.memory_space<hbm>> -> memref<25600xi32, #tpu.memory_space<hbm>>
      tpu.wait_dma2 semaphore(%run_scoped3A : memref<!tpu.dma_semaphore, #tpu.memory_space<semaphore_mem>>) src(%dma_wait3A_99 : memref<25600xi32, #tpu.memory_space<hbm>>) dst(%arg5 : memref<25600xi32, #tpu.memory_space<vmem>>)
      tpu.yield
    }) : () -> ()
    %dma_start3A = arith.constant 0 : i32
    %dma_start3A_3 = arith.constant 0 : i32
    %dma_start3A_4 = arith.constant 0 : i32
    %dma_start3A_5 = tpu.memref_slice %arg6[%dma_start3A, %dma_start3A_3, %dma_start3A_4] : memref<4x128x128xf32, #tpu.memory_space<vmem>> -> memref<1x128x128xf32, #tpu.memory_space<vmem>>
    %dma_start3A_6 = tpu.memref_squeeze %dma_start3A_5 : memref<1x128x128xf32, #tpu.memory_space<vmem>> -> memref<128x128xf32, #tpu.memory_space<vmem>>
    %dma_start3A_7 = arith.constant 0 : i32
    %dma_start3A_8 = tpu.memref_slice %arg5[%dma_start3A_7] : memref<25600xi32, #tpu.memory_space<vmem>> -> memref<128xi32, #tpu.memory_space<vmem>>
    %dma_start3A_9 = arith.constant 0 : i32
    %dma_start3A_10 = arith.constant 0 : i32
    %dma_start3A_11 = tpu.memref_slice %arg3[%dma_start3A_9, %dma_start3A_10] : memref<1000000x128xf32, #tpu.memory_space<hbm>> -> memref<1000000x128xf32, #tpu.memory_space<hbm>>
    tpu.enqueue_indirect_dma source(%dma_start3A_11 : memref<1000000x128xf32, #tpu.memory_space<hbm>>) target(%dma_start3A_6 : memref<128x128xf32, #tpu.memory_space<vmem>>) offsets(%dma_start3A_8 : memref<128xi32, #tpu.memory_space<vmem>>) semaphore(%arg7 : memref<!tpu.dma_semaphore, #tpu.memory_space<semaphore_mem>>)
    %dma_start3A_12 = arith.constant 1 : i32
    %dma_start3A_13 = arith.constant 0 : i32
    %dma_start3A_14 = arith.constant 0 : i32
    %dma_start3A_15 = tpu.memref_slice %arg6[%dma_start3A_12, %dma_start3A_13, %dma_start3A_14] : memref<4x128x128xf32, #tpu.memory_space<vmem>> -> memref<1x128x128xf32, #tpu.memory_space<vmem>>
    %dma_start3A_16 = tpu.memref_squeeze %dma_start3A_15 : memref<1x128x128xf32, #tpu.memory_space<vmem>> -> memref<128x128xf32, #tpu.memory_space<vmem>>
    %dma_start3A_17 = arith.constant 128 : i32
    %dma_start3A_18 = tpu.memref_slice %arg5[%dma_start3A_17] : memref<25600xi32, #tpu.memory_space<vmem>> -> memref<128xi32, #tpu.memory_space<vmem>>
    %dma_start3A_19 = arith.constant 0 : i32
    %dma_start3A_20 = arith.constant 0 : i32
    %dma_start3A_21 = tpu.memref_slice %arg3[%dma_start3A_19, %dma_start3A_20] : memref<1000000x128xf32, #tpu.memory_space<hbm>> -> memref<1000000x128xf32, #tpu.memory_space<hbm>>
    tpu.enqueue_indirect_dma source(%dma_start3A_21 : memref<1000000x128xf32, #tpu.memory_space<hbm>>) target(%dma_start3A_16 : memref<128x128xf32, #tpu.memory_space<vmem>>) offsets(%dma_start3A_18 : memref<128xi32, #tpu.memory_space<vmem>>) semaphore(%arg8 : memref<!tpu.dma_semaphore, #tpu.memory_space<semaphore_mem>>)
    %dma_start3A_22 = arith.constant 2 : i32
    %dma_start3A_23 = arith.constant 0 : i32
    %dma_start3A_24 = arith.constant 0 : i32
    %dma_start3A_25 = tpu.memref_slice %arg6[%dma_start3A_22, %dma_start3A_23, %dma_start3A_24] : memref<4x128x128xf32, #tpu.memory_space<vmem>> -> memref<1x128x128xf32, #tpu.memory_space<vmem>>
    %dma_start3A_26 = tpu.memref_squeeze %dma_start3A_25 : memref<1x128x128xf32, #tpu.memory_space<vmem>> -> memref<128x128xf32, #tpu.memory_space<vmem>>
    %dma_start3A_27 = arith.constant 256 : i32
    %dma_start3A_28 = tpu.memref_slice %arg5[%dma_start3A_27] : memref<25600xi32, #tpu.memory_space<vmem>> -> memref<128xi32, #tpu.memory_space<vmem>>
    %dma_start3A_29 = arith.constant 0 : i32
    %dma_start3A_30 = arith.constant 0 : i32
    %dma_start3A_31 = tpu.memref_slice %arg3[%dma_start3A_29, %dma_start3A_30] : memref<1000000x128xf32, #tpu.memory_space<hbm>> -> memref<1000000x128xf32, #tpu.memory_space<hbm>>
    tpu.enqueue_indirect_dma source(%dma_start3A_31 : memref<1000000x128xf32, #tpu.memory_space<hbm>>) target(%dma_start3A_26 : memref<128x128xf32, #tpu.memory_space<vmem>>) offsets(%dma_start3A_28 : memref<128xi32, #tpu.memory_space<vmem>>) semaphore(%arg9 : memref<!tpu.dma_semaphore, #tpu.memory_space<semaphore_mem>>)
    %scan3A = arith.constant 0 : i32
    %scan3A_32 = arith.constant 0 : i32
    %scan3A_33 = arith.constant 50 : i32
    %scan3A_34 = arith.addi %scan3A_32, %scan3A_33 : i32
    %scan3A_35 = arith.constant 1 : i32
    scf.for %scan3A_96 = %scan3A_32 to %scan3A_34 step %scan3A_35  : i32 {
      %mul3A_97 = arith.constant 4 : i32
      %mul3A_98 = arith.muli %mul3A_97, %scan3A_96 : i32
      %add3A_99 = arith.constant 0 : i32
      %add3A_100 = arith.addi %mul3A_98, %add3A_99 : i32
      %mul3A_101 = arith.constant 128 : i32
      %mul3A_102 = arith.muli %add3A_100, %mul3A_101 : i32
      %dma_wait3A_103 = arith.constant 0 : i32
      %dma_wait3A_104 = arith.constant 0 : i32
      %dma_wait3A_105 = arith.constant 0 : i32
      %dma_wait3A_106 = tpu.memref_slice %arg6[%dma_wait3A_103, %dma_wait3A_104, %dma_wait3A_105] : memref<4x128x128xf32, #tpu.memory_space<vmem>> -> memref<1x128x128xf32, #tpu.memory_space<vmem>>
      %dma_wait3A_107 = tpu.memref_squeeze %dma_wait3A_106 : memref<1x128x128xf32, #tpu.memory_space<vmem>> -> memref<128x128xf32, #tpu.memory_space<vmem>>
      %dma_wait3A_108 = tpu.memref_slice %arg5[%mul3A_102] : memref<25600xi32, #tpu.memory_space<vmem>> -> memref<128xi32, #tpu.memory_space<vmem>>
      %dma_wait3A_109 = arith.constant 0 : i32
      %dma_wait3A_110 = arith.constant 0 : i32
      %dma_wait3A_111 = tpu.memref_slice %arg3[%dma_wait3A_109, %dma_wait3A_110] : memref<1000000x128xf32, #tpu.memory_space<hbm>> -> memref<1000000x128xf32, #tpu.memory_space<hbm>>
      tpu.wait_indirect_dma semaphore(%arg7 : memref<!tpu.dma_semaphore, #tpu.memory_space<semaphore_mem>>) src(%dma_wait3A_111 : memref<1000000x128xf32, #tpu.memory_space<hbm>>) dst(%dma_wait3A_107 : memref<128x128xf32, #tpu.memory_space<vmem>>)
      %mul3A_112 = arith.constant 128 : i32
      %mul3A_113 = arith.muli %add3A_100, %mul3A_112 : i32
      %add3A_114 = arith.addi %mul3A_2, %mul3A_113 : i32
      %dma_start3A_115 = arith.constant 0 : i32
      %dma_start3A_116 = arith.constant 0 : i32
      %dma_start3A_117 = arith.constant 0 : i32
      %dma_start3A_118 = tpu.memref_slice %arg6[%dma_start3A_115, %dma_start3A_116, %dma_start3A_117] : memref<4x128x128xf32, #tpu.memory_space<vmem>> -> memref<1x128x128xf32, #tpu.memory_space<vmem>>
      %dma_start3A_119 = tpu.memref_squeeze %dma_start3A_118 : memref<1x128x128xf32, #tpu.memory_space<vmem>> -> memref<128x128xf32, #tpu.memory_space<vmem>>
      %dma_start3A_120 = arith.constant 0 : i32
      %dma_start3A_121 = tpu.memref_slice %arg4[%add3A_114, %dma_start3A_120] : memref<819200x128xf32, #tpu.memory_space<hbm>> -> memref<128x128xf32, #tpu.memory_space<hbm>>
      %dma_start3A_122 = arith.constant 0 : i32
      %dma_start3A_123 = tpu.memref_slice %arg4[%add3A_114, %dma_start3A_122] : memref<819200x128xf32, #tpu.memory_space<hbm>> -> memref<128x128xf32, #tpu.memory_space<hbm>>
      %dma_start3A_124 = arith.constant 0 : i32
      %dma_start3A_125 = arith.constant 0 : i32
      %dma_start3A_126 = tpu.memref_slice %arg6[%dma_start3A_115, %dma_start3A_124, %dma_start3A_125] : memref<4x128x128xf32, #tpu.memory_space<vmem>> -> memref<1x128x128xf32, #tpu.memory_space<vmem>>
      %dma_start3A_127 = tpu.memref_squeeze %dma_start3A_126 : memref<1x128x128xf32, #tpu.memory_space<vmem>> -> memref<128x128xf32, #tpu.memory_space<vmem>>
      tpu.enqueue_dma source(%dma_start3A_127 : memref<128x128xf32, #tpu.memory_space<vmem>>) target(%dma_start3A_123 : memref<128x128xf32, #tpu.memory_space<hbm>>) target_semaphore(%arg11 : memref<!tpu.dma_semaphore, #tpu.memory_space<semaphore_mem>>)
      %add3A_128 = arith.constant 3 : i32
      %add3A_129 = arith.addi %add3A_100, %add3A_128 : i32
      %lt3A = arith.constant 200 : i32
      %lt3A_130 = arith.cmpi slt, %add3A_129, %lt3A : i32
      %convert_element_type3A = arith.extui %lt3A_130 : i1 to i32
      %cond3A = arith.constant 0 : i32
      %cond3A_131 = arith.cmpi ne, %convert_element_type3A, %cond3A : i32
      scf.if %cond3A_131 {
        %ge3A = arith.constant 4 : i32
        %ge3A_246 = arith.cmpi sge, %add3A_129, %ge3A : i32
        %convert_element_type3A_247 = arith.extui %ge3A_246 : i1 to i32
        %cond3A_248 = arith.constant 0 : i32
        %cond3A_249 = arith.cmpi ne, %convert_element_type3A_247, %cond3A_248 : i32
        scf.if %cond3A_249 {
          %sub3A = arith.constant 4 : i32
          %sub3A_261 = arith.subi %add3A_129, %sub3A : i32
          %mul3A_262 = arith.constant 128 : i32
          %mul3A_263 = arith.muli %sub3A_261, %mul3A_262 : i32
          %add3A_264 = arith.addi %mul3A_2, %mul3A_263 : i32
          %dma_wait3A_265 = arith.constant 3 : i32
          %dma_wait3A_266 = arith.constant 0 : i32
          %dma_wait3A_267 = arith.constant 0 : i32
          %dma_wait3A_268 = tpu.memref_slice %arg6[%dma_wait3A_265, %dma_wait3A_266, %dma_wait3A_267] : memref<4x128x128xf32, #tpu.memory_space<vmem>> -> memref<1x128x128xf32, #tpu.memory_space<vmem>>
          %dma_wait3A_269 = tpu.memref_squeeze %dma_wait3A_268 : memref<1x128x128xf32, #tpu.memory_space<vmem>> -> memref<128x128xf32, #tpu.memory_space<vmem>>
          %dma_wait3A_270 = arith.constant 0 : i32
          %dma_wait3A_271 = tpu.memref_slice %arg4[%add3A_264, %dma_wait3A_270] : memref<819200x128xf32, #tpu.memory_space<hbm>> -> memref<128x128xf32, #tpu.memory_space<hbm>>
          %dma_wait3A_272 = arith.constant 0 : i32
          %dma_wait3A_273 = tpu.memref_slice %arg4[%add3A_264, %dma_wait3A_272] : memref<819200x128xf32, #tpu.memory_space<hbm>> -> memref<128x128xf32, #tpu.memory_space<hbm>>
          %dma_wait3A_274 = arith.constant 0 : i32
          %dma_wait3A_275 = arith.constant 0 : i32
          %dma_wait3A_276 = tpu.memref_slice %arg6[%dma_wait3A_265, %dma_wait3A_274, %dma_wait3A_275] : memref<4x128x128xf32, #tpu.memory_space<vmem>> -> memref<1x128x128xf32, #tpu.memory_space<vmem>>
          %dma_wait3A_277 = tpu.memref_squeeze %dma_wait3A_276 : memref<1x128x128xf32, #tpu.memory_space<vmem>> -> memref<128x128xf32, #tpu.memory_space<vmem>>
          tpu.wait_dma2 semaphore(%arg14 : memref<!tpu.dma_semaphore, #tpu.memory_space<semaphore_mem>>) src(%dma_wait3A_277 : memref<128x128xf32, #tpu.memory_space<vmem>>) dst(%dma_wait3A_273 : memref<128x128xf32, #tpu.memory_space<hbm>>)
        } else {
        }
        %mul3A_250 = arith.constant 128 : i32
        %mul3A_251 = arith.muli %add3A_129, %mul3A_250 : i32
        %dma_start3A_252 = arith.constant 3 : i32
        %dma_start3A_253 = arith.constant 0 : i32
        %dma_start3A_254 = arith.constant 0 : i32
        %dma_start3A_255 = tpu.memref_slice %arg6[%dma_start3A_252, %dma_start3A_253, %dma_start3A_254] : memref<4x128x128xf32, #tpu.memory_space<vmem>> -> memref<1x128x128xf32, #tpu.memory_space<vmem>>
        %dma_start3A_256 = tpu.memref_squeeze %dma_start3A_255 : memref<1x128x128xf32, #tpu.memory_space<vmem>> -> memref<128x128xf32, #tpu.memory_space<vmem>>
        %dma_start3A_257 = tpu.memref_slice %arg5[%mul3A_251] : memref<25600xi32, #tpu.memory_space<vmem>> -> memref<128xi32, #tpu.memory_space<vmem>>
        %dma_start3A_258 = arith.constant 0 : i32
        %dma_start3A_259 = arith.constant 0 : i32
        %dma_start3A_260 = tpu.memref_slice %arg3[%dma_start3A_258, %dma_start3A_259] : memref<1000000x128xf32, #tpu.memory_space<hbm>> -> memref<1000000x128xf32, #tpu.memory_space<hbm>>
        tpu.enqueue_indirect_dma source(%dma_start3A_260 : memref<1000000x128xf32, #tpu.memory_space<hbm>>) target(%dma_start3A_256 : memref<128x128xf32, #tpu.memory_space<vmem>>) offsets(%dma_start3A_257 : memref<128xi32, #tpu.memory_space<vmem>>) semaphore(%arg10 : memref<!tpu.dma_semaphore, #tpu.memory_space<semaphore_mem>>)
      } else {
      }
      %mul3A_132 = arith.constant 4 : i32
      %mul3A_133 = arith.muli %mul3A_132, %scan3A_96 : i32
      %add3A_134 = arith.constant 1 : i32
      %add3A_135 = arith.addi %mul3A_133, %add3A_134 : i32
      %mul3A_136 = arith.constant 128 : i32
      %mul3A_137 = arith.muli %add3A_135, %mul3A_136 : i32
      %dma_wait3A_138 = arith.constant 1 : i32
      %dma_wait3A_139 = arith.constant 0 : i32
      %dma_wait3A_140 = arith.constant 0 : i32
      %dma_wait3A_141 = tpu.memref_slice %arg6[%dma_wait3A_138, %dma_wait3A_139, %dma_wait3A_140] : memref<4x128x128xf32, #tpu.memory_space<vmem>> -> memref<1x128x128xf32, #tpu.memory_space<vmem>>
      %dma_wait3A_142 = tpu.memref_squeeze %dma_wait3A_141 : memref<1x128x128xf32, #tpu.memory_space<vmem>> -> memref<128x128xf32, #tpu.memory_space<vmem>>
      %dma_wait3A_143 = tpu.memref_slice %arg5[%mul3A_137] : memref<25600xi32, #tpu.memory_space<vmem>> -> memref<128xi32, #tpu.memory_space<vmem>>
      %dma_wait3A_144 = arith.constant 0 : i32
      %dma_wait3A_145 = arith.constant 0 : i32
      %dma_wait3A_146 = tpu.memref_slice %arg3[%dma_wait3A_144, %dma_wait3A_145] : memref<1000000x128xf32, #tpu.memory_space<hbm>> -> memref<1000000x128xf32, #tpu.memory_space<hbm>>
      tpu.wait_indirect_dma semaphore(%arg8 : memref<!tpu.dma_semaphore, #tpu.memory_space<semaphore_mem>>) src(%dma_wait3A_146 : memref<1000000x128xf32, #tpu.memory_space<hbm>>) dst(%dma_wait3A_142 : memref<128x128xf32, #tpu.memory_space<vmem>>)
      %mul3A_147 = arith.constant 128 : i32
      %mul3A_148 = arith.muli %add3A_135, %mul3A_147 : i32
      %add3A_149 = arith.addi %mul3A_2, %mul3A_148 : i32
      %dma_start3A_150 = arith.constant 1 : i32
      %dma_start3A_151 = arith.constant 0 : i32
      %dma_start3A_152 = arith.constant 0 : i32
      %dma_start3A_153 = tpu.memref_slice %arg6[%dma_start3A_150, %dma_start3A_151, %dma_start3A_152] : memref<4x128x128xf32, #tpu.memory_space<vmem>> -> memref<1x128x128xf32, #tpu.memory_space<vmem>>
      %dma_start3A_154 = tpu.memref_squeeze %dma_start3A_153 : memref<1x128x128xf32, #tpu.memory_space<vmem>> -> memref<128x128xf32, #tpu.memory_space<vmem>>
      %dma_start3A_155 = arith.constant 0 : i32
      %dma_start3A_156 = tpu.memref_slice %arg4[%add3A_149, %dma_start3A_155] : memref<819200x128xf32, #tpu.memory_space<hbm>> -> memref<128x128xf32, #tpu.memory_space<hbm>>
      %dma_start3A_157 = arith.constant 0 : i32
      %dma_start3A_158 = tpu.memref_slice %arg4[%add3A_149, %dma_start3A_157] : memref<819200x128xf32, #tpu.memory_space<hbm>> -> memref<128x128xf32, #tpu.memory_space<hbm>>
      %dma_start3A_159 = arith.constant 0 : i32
      %dma_start3A_160 = arith.constant 0 : i32
      %dma_start3A_161 = tpu.memref_slice %arg6[%dma_start3A_150, %dma_start3A_159, %dma_start3A_160] : memref<4x128x128xf32, #tpu.memory_space<vmem>> -> memref<1x128x128xf32, #tpu.memory_space<vmem>>
      %dma_start3A_162 = tpu.memref_squeeze %dma_start3A_161 : memref<1x128x128xf32, #tpu.memory_space<vmem>> -> memref<128x128xf32, #tpu.memory_space<vmem>>
      tpu.enqueue_dma source(%dma_start3A_162 : memref<128x128xf32, #tpu.memory_space<vmem>>) target(%dma_start3A_158 : memref<128x128xf32, #tpu.memory_space<hbm>>) target_semaphore(%arg12 : memref<!tpu.dma_semaphore, #tpu.memory_space<semaphore_mem>>)
      %add3A_163 = arith.constant 3 : i32
      %add3A_164 = arith.addi %add3A_135, %add3A_163 : i32
      %lt3A_165 = arith.constant 200 : i32
      %lt3A_166 = arith.cmpi slt, %add3A_164, %lt3A_165 : i32
      %convert_element_type3A_167 = arith.extui %lt3A_166 : i1 to i32
      %cond3A_168 = arith.constant 0 : i32
      %cond3A_169 = arith.cmpi ne, %convert_element_type3A_167, %cond3A_168 : i32
      scf.if %cond3A_169 {
        %ge3A = arith.constant 4 : i32
        %ge3A_246 = arith.cmpi sge, %add3A_164, %ge3A : i32
        %convert_element_type3A_247 = arith.extui %ge3A_246 : i1 to i32
        %cond3A_248 = arith.constant 0 : i32
        %cond3A_249 = arith.cmpi ne, %convert_element_type3A_247, %cond3A_248 : i32
        scf.if %cond3A_249 {
          %sub3A = arith.constant 4 : i32
          %sub3A_261 = arith.subi %add3A_164, %sub3A : i32
          %mul3A_262 = arith.constant 128 : i32
          %mul3A_263 = arith.muli %sub3A_261, %mul3A_262 : i32
          %add3A_264 = arith.addi %mul3A_2, %mul3A_263 : i32
          %dma_wait3A_265 = arith.constant 0 : i32
          %dma_wait3A_266 = arith.constant 0 : i32
          %dma_wait3A_267 = arith.constant 0 : i32
          %dma_wait3A_268 = tpu.memref_slice %arg6[%dma_wait3A_265, %dma_wait3A_266, %dma_wait3A_267] : memref<4x128x128xf32, #tpu.memory_space<vmem>> -> memref<1x128x128xf32, #tpu.memory_space<vmem>>
          %dma_wait3A_269 = tpu.memref_squeeze %dma_wait3A_268 : memref<1x128x128xf32, #tpu.memory_space<vmem>> -> memref<128x128xf32, #tpu.memory_space<vmem>>
          %dma_wait3A_270 = arith.constant 0 : i32
          %dma_wait3A_271 = tpu.memref_slice %arg4[%add3A_264, %dma_wait3A_270] : memref<819200x128xf32, #tpu.memory_space<hbm>> -> memref<128x128xf32, #tpu.memory_space<hbm>>
          %dma_wait3A_272 = arith.constant 0 : i32
          %dma_wait3A_273 = tpu.memref_slice %arg4[%add3A_264, %dma_wait3A_272] : memref<819200x128xf32, #tpu.memory_space<hbm>> -> memref<128x128xf32, #tpu.memory_space<hbm>>
          %dma_wait3A_274 = arith.constant 0 : i32
          %dma_wait3A_275 = arith.constant 0 : i32
          %dma_wait3A_276 = tpu.memref_slice %arg6[%dma_wait3A_265, %dma_wait3A_274, %dma_wait3A_275] : memref<4x128x128xf32, #tpu.memory_space<vmem>> -> memref<1x128x128xf32, #tpu.memory_space<vmem>>
          %dma_wait3A_277 = tpu.memref_squeeze %dma_wait3A_276 : memref<1x128x128xf32, #tpu.memory_space<vmem>> -> memref<128x128xf32, #tpu.memory_space<vmem>>
          tpu.wait_dma2 semaphore(%arg11 : memref<!tpu.dma_semaphore, #tpu.memory_space<semaphore_mem>>) src(%dma_wait3A_277 : memref<128x128xf32, #tpu.memory_space<vmem>>) dst(%dma_wait3A_273 : memref<128x128xf32, #tpu.memory_space<hbm>>)
        } else {
        }
        %mul3A_250 = arith.constant 128 : i32
        %mul3A_251 = arith.muli %add3A_164, %mul3A_250 : i32
        %dma_start3A_252 = arith.constant 0 : i32
        %dma_start3A_253 = arith.constant 0 : i32
        %dma_start3A_254 = arith.constant 0 : i32
        %dma_start3A_255 = tpu.memref_slice %arg6[%dma_start3A_252, %dma_start3A_253, %dma_start3A_254] : memref<4x128x128xf32, #tpu.memory_space<vmem>> -> memref<1x128x128xf32, #tpu.memory_space<vmem>>
        %dma_start3A_256 = tpu.memref_squeeze %dma_start3A_255 : memref<1x128x128xf32, #tpu.memory_space<vmem>> -> memref<128x128xf32, #tpu.memory_space<vmem>>
        %dma_start3A_257 = tpu.memref_slice %arg5[%mul3A_251] : memref<25600xi32, #tpu.memory_space<vmem>> -> memref<128xi32, #tpu.memory_space<vmem>>
        %dma_start3A_258 = arith.constant 0 : i32
        %dma_start3A_259 = arith.constant 0 : i32
        %dma_start3A_260 = tpu.memref_slice %arg3[%dma_start3A_258, %dma_start3A_259] : memref<1000000x128xf32, #tpu.memory_space<hbm>> -> memref<1000000x128xf32, #tpu.memory_space<hbm>>
        tpu.enqueue_indirect_dma source(%dma_start3A_260 : memref<1000000x128xf32, #tpu.memory_space<hbm>>) target(%dma_start3A_256 : memref<128x128xf32, #tpu.memory_space<vmem>>) offsets(%dma_start3A_257 : memref<128xi32, #tpu.memory_space<vmem>>) semaphore(%arg7 : memref<!tpu.dma_semaphore, #tpu.memory_space<semaphore_mem>>)
      } else {
      }
      %mul3A_170 = arith.constant 4 : i32
      %mul3A_171 = arith.muli %mul3A_170, %scan3A_96 : i32
      %add3A_172 = arith.constant 2 : i32
      %add3A_173 = arith.addi %mul3A_171, %add3A_172 : i32
      %mul3A_174 = arith.constant 128 : i32
      %mul3A_175 = arith.muli %add3A_173, %mul3A_174 : i32
      %dma_wait3A_176 = arith.constant 2 : i32
      %dma_wait3A_177 = arith.constant 0 : i32
      %dma_wait3A_178 = arith.constant 0 : i32
      %dma_wait3A_179 = tpu.memref_slice %arg6[%dma_wait3A_176, %dma_wait3A_177, %dma_wait3A_178] : memref<4x128x128xf32, #tpu.memory_space<vmem>> -> memref<1x128x128xf32, #tpu.memory_space<vmem>>
      %dma_wait3A_180 = tpu.memref_squeeze %dma_wait3A_179 : memref<1x128x128xf32, #tpu.memory_space<vmem>> -> memref<128x128xf32, #tpu.memory_space<vmem>>
      %dma_wait3A_181 = tpu.memref_slice %arg5[%mul3A_175] : memref<25600xi32, #tpu.memory_space<vmem>> -> memref<128xi32, #tpu.memory_space<vmem>>
      %dma_wait3A_182 = arith.constant 0 : i32
      %dma_wait3A_183 = arith.constant 0 : i32
      %dma_wait3A_184 = tpu.memref_slice %arg3[%dma_wait3A_182, %dma_wait3A_183] : memref<1000000x128xf32, #tpu.memory_space<hbm>> -> memref<1000000x128xf32, #tpu.memory_space<hbm>>
      tpu.wait_indirect_dma semaphore(%arg9 : memref<!tpu.dma_semaphore, #tpu.memory_space<semaphore_mem>>) src(%dma_wait3A_184 : memref<1000000x128xf32, #tpu.memory_space<hbm>>) dst(%dma_wait3A_180 : memref<128x128xf32, #tpu.memory_space<vmem>>)
      %mul3A_185 = arith.constant 128 : i32
      %mul3A_186 = arith.muli %add3A_173, %mul3A_185 : i32
      %add3A_187 = arith.addi %mul3A_2, %mul3A_186 : i32
      %dma_start3A_188 = arith.constant 2 : i32
      %dma_start3A_189 = arith.constant 0 : i32
      %dma_start3A_190 = arith.constant 0 : i32
      %dma_start3A_191 = tpu.memref_slice %arg6[%dma_start3A_188, %dma_start3A_189, %dma_start3A_190] : memref<4x128x128xf32, #tpu.memory_space<vmem>> -> memref<1x128x128xf32, #tpu.memory_space<vmem>>
      %dma_start3A_192 = tpu.memref_squeeze %dma_start3A_191 : memref<1x128x128xf32, #tpu.memory_space<vmem>> -> memref<128x128xf32, #tpu.memory_space<vmem>>
      %dma_start3A_193 = arith.constant 0 : i32
      %dma_start3A_194 = tpu.memref_slice %arg4[%add3A_187, %dma_start3A_193] : memref<819200x128xf32, #tpu.memory_space<hbm>> -> memref<128x128xf32, #tpu.memory_space<hbm>>
      %dma_start3A_195 = arith.constant 0 : i32
      %dma_start3A_196 = tpu.memref_slice %arg4[%add3A_187, %dma_start3A_195] : memref<819200x128xf32, #tpu.memory_space<hbm>> -> memref<128x128xf32, #tpu.memory_space<hbm>>
      %dma_start3A_197 = arith.constant 0 : i32
      %dma_start3A_198 = arith.constant 0 : i32
      %dma_start3A_199 = tpu.memref_slice %arg6[%dma_start3A_188, %dma_start3A_197, %dma_start3A_198] : memref<4x128x128xf32, #tpu.memory_space<vmem>> -> memref<1x128x128xf32, #tpu.memory_space<vmem>>
      %dma_start3A_200 = tpu.memref_squeeze %dma_start3A_199 : memref<1x128x128xf32, #tpu.memory_space<vmem>> -> memref<128x128xf32, #tpu.memory_space<vmem>>
      tpu.enqueue_dma source(%dma_start3A_200 : memref<128x128xf32, #tpu.memory_space<vmem>>) target(%dma_start3A_196 : memref<128x128xf32, #tpu.memory_space<hbm>>) target_semaphore(%arg13 : memref<!tpu.dma_semaphore, #tpu.memory_space<semaphore_mem>>)
      %add3A_201 = arith.constant 3 : i32
      %add3A_202 = arith.addi %add3A_173, %add3A_201 : i32
      %lt3A_203 = arith.constant 200 : i32
      %lt3A_204 = arith.cmpi slt, %add3A_202, %lt3A_203 : i32
      %convert_element_type3A_205 = arith.extui %lt3A_204 : i1 to i32
      %cond3A_206 = arith.constant 0 : i32
      %cond3A_207 = arith.cmpi ne, %convert_element_type3A_205, %cond3A_206 : i32
      scf.if %cond3A_207 {
        %ge3A = arith.constant 4 : i32
        %ge3A_246 = arith.cmpi sge, %add3A_202, %ge3A : i32
        %convert_element_type3A_247 = arith.extui %ge3A_246 : i1 to i32
        %cond3A_248 = arith.constant 0 : i32
        %cond3A_249 = arith.cmpi ne, %convert_element_type3A_247, %cond3A_248 : i32
        scf.if %cond3A_249 {
          %sub3A = arith.constant 4 : i32
          %sub3A_261 = arith.subi %add3A_202, %sub3A : i32
          %mul3A_262 = arith.constant 128 : i32
          %mul3A_263 = arith.muli %sub3A_261, %mul3A_262 : i32
          %add3A_264 = arith.addi %mul3A_2, %mul3A_263 : i32
          %dma_wait3A_265 = arith.constant 1 : i32
          %dma_wait3A_266 = arith.constant 0 : i32
          %dma_wait3A_267 = arith.constant 0 : i32
          %dma_wait3A_268 = tpu.memref_slice %arg6[%dma_wait3A_265, %dma_wait3A_266, %dma_wait3A_267] : memref<4x128x128xf32, #tpu.memory_space<vmem>> -> memref<1x128x128xf32, #tpu.memory_space<vmem>>
          %dma_wait3A_269 = tpu.memref_squeeze %dma_wait3A_268 : memref<1x128x128xf32, #tpu.memory_space<vmem>> -> memref<128x128xf32, #tpu.memory_space<vmem>>
          %dma_wait3A_270 = arith.constant 0 : i32
          %dma_wait3A_271 = tpu.memref_slice %arg4[%add3A_264, %dma_wait3A_270] : memref<819200x128xf32, #tpu.memory_space<hbm>> -> memref<128x128xf32, #tpu.memory_space<hbm>>
          %dma_wait3A_272 = arith.constant 0 : i32
          %dma_wait3A_273 = tpu.memref_slice %arg4[%add3A_264, %dma_wait3A_272] : memref<819200x128xf32, #tpu.memory_space<hbm>> -> memref<128x128xf32, #tpu.memory_space<hbm>>
          %dma_wait3A_274 = arith.constant 0 : i32
          %dma_wait3A_275 = arith.constant 0 : i32
          %dma_wait3A_276 = tpu.memref_slice %arg6[%dma_wait3A_265, %dma_wait3A_274, %dma_wait3A_275] : memref<4x128x128xf32, #tpu.memory_space<vmem>> -> memref<1x128x128xf32, #tpu.memory_space<vmem>>
          %dma_wait3A_277 = tpu.memref_squeeze %dma_wait3A_276 : memref<1x128x128xf32, #tpu.memory_space<vmem>> -> memref<128x128xf32, #tpu.memory_space<vmem>>
          tpu.wait_dma2 semaphore(%arg12 : memref<!tpu.dma_semaphore, #tpu.memory_space<semaphore_mem>>) src(%dma_wait3A_277 : memref<128x128xf32, #tpu.memory_space<vmem>>) dst(%dma_wait3A_273 : memref<128x128xf32, #tpu.memory_space<hbm>>)
        } else {
        }
        %mul3A_250 = arith.constant 128 : i32
        %mul3A_251 = arith.muli %add3A_202, %mul3A_250 : i32
        %dma_start3A_252 = arith.constant 1 : i32
        %dma_start3A_253 = arith.constant 0 : i32
        %dma_start3A_254 = arith.constant 0 : i32
        %dma_start3A_255 = tpu.memref_slice %arg6[%dma_start3A_252, %dma_start3A_253, %dma_start3A_254] : memref<4x128x128xf32, #tpu.memory_space<vmem>> -> memref<1x128x128xf32, #tpu.memory_space<vmem>>
        %dma_start3A_256 = tpu.memref_squeeze %dma_start3A_255 : memref<1x128x128xf32, #tpu.memory_space<vmem>> -> memref<128x128xf32, #tpu.memory_space<vmem>>
        %dma_start3A_257 = tpu.memref_slice %arg5[%mul3A_251] : memref<25600xi32, #tpu.memory_space<vmem>> -> memref<128xi32, #tpu.memory_space<vmem>>
        %dma_start3A_258 = arith.constant 0 : i32
        %dma_start3A_259 = arith.constant 0 : i32
        %dma_start3A_260 = tpu.memref_slice %arg3[%dma_start3A_258, %dma_start3A_259] : memref<1000000x128xf32, #tpu.memory_space<hbm>> -> memref<1000000x128xf32, #tpu.memory_space<hbm>>
        tpu.enqueue_indirect_dma source(%dma_start3A_260 : memref<1000000x128xf32, #tpu.memory_space<hbm>>) target(%dma_start3A_256 : memref<128x128xf32, #tpu.memory_space<vmem>>) offsets(%dma_start3A_257 : memref<128xi32, #tpu.memory_space<vmem>>) semaphore(%arg8 : memref<!tpu.dma_semaphore, #tpu.memory_space<semaphore_mem>>)
      } else {
      }
      %mul3A_208 = arith.constant 4 : i32
      %mul3A_209 = arith.muli %mul3A_208, %scan3A_96 : i32
      %add3A_210 = arith.constant 3 : i32
      %add3A_211 = arith.addi %mul3A_209, %add3A_210 : i32
      %mul3A_212 = arith.constant 128 : i32
      %mul3A_213 = arith.muli %add3A_211, %mul3A_212 : i32
      %dma_wait3A_214 = arith.constant 3 : i32
      %dma_wait3A_215 = arith.constant 0 : i32
      %dma_wait3A_216 = arith.constant 0 : i32
      %dma_wait3A_217 = tpu.memref_slice %arg6[%dma_wait3A_214, %dma_wait3A_215, %dma_wait3A_216] : memref<4x128x128xf32, #tpu.memory_space<vmem>> -> memref<1x128x128xf32, #tpu.memory_space<vmem>>
      %dma_wait3A_218 = tpu.memref_squeeze %dma_wait3A_217 : memref<1x128x128xf32, #tpu.memory_space<vmem>> -> memref<128x128xf32, #tpu.memory_space<vmem>>
      %dma_wait3A_219 = tpu.memref_slice %arg5[%mul3A_213] : memref<25600xi32, #tpu.memory_space<vmem>> -> memref<128xi32, #tpu.memory_space<vmem>>
      %dma_wait3A_220 = arith.constant 0 : i32
      %dma_wait3A_221 = arith.constant 0 : i32
      %dma_wait3A_222 = tpu.memref_slice %arg3[%dma_wait3A_220, %dma_wait3A_221] : memref<1000000x128xf32, #tpu.memory_space<hbm>> -> memref<1000000x128xf32, #tpu.memory_space<hbm>>
      tpu.wait_indirect_dma semaphore(%arg10 : memref<!tpu.dma_semaphore, #tpu.memory_space<semaphore_mem>>) src(%dma_wait3A_222 : memref<1000000x128xf32, #tpu.memory_space<hbm>>) dst(%dma_wait3A_218 : memref<128x128xf32, #tpu.memory_space<vmem>>)
      %mul3A_223 = arith.constant 128 : i32
      %mul3A_224 = arith.muli %add3A_211, %mul3A_223 : i32
      %add3A_225 = arith.addi %mul3A_2, %mul3A_224 : i32
      %dma_start3A_226 = arith.constant 3 : i32
      %dma_start3A_227 = arith.constant 0 : i32
      %dma_start3A_228 = arith.constant 0 : i32
      %dma_start3A_229 = tpu.memref_slice %arg6[%dma_start3A_226, %dma_start3A_227, %dma_start3A_228] : memref<4x128x128xf32, #tpu.memory_space<vmem>> -> memref<1x128x128xf32, #tpu.memory_space<vmem>>
      %dma_start3A_230 = tpu.memref_squeeze %dma_start3A_229 : memref<1x128x128xf32, #tpu.memory_space<vmem>> -> memref<128x128xf32, #tpu.memory_space<vmem>>
      %dma_start3A_231 = arith.constant 0 : i32
      %dma_start3A_232 = tpu.memref_slice %arg4[%add3A_225, %dma_start3A_231] : memref<819200x128xf32, #tpu.memory_space<hbm>> -> memref<128x128xf32, #tpu.memory_space<hbm>>
      %dma_start3A_233 = arith.constant 0 : i32
      %dma_start3A_234 = tpu.memref_slice %arg4[%add3A_225, %dma_start3A_233] : memref<819200x128xf32, #tpu.memory_space<hbm>> -> memref<128x128xf32, #tpu.memory_space<hbm>>
      %dma_start3A_235 = arith.constant 0 : i32
      %dma_start3A_236 = arith.constant 0 : i32
      %dma_start3A_237 = tpu.memref_slice %arg6[%dma_start3A_226, %dma_start3A_235, %dma_start3A_236] : memref<4x128x128xf32, #tpu.memory_space<vmem>> -> memref<1x128x128xf32, #tpu.memory_space<vmem>>
      %dma_start3A_238 = tpu.memref_squeeze %dma_start3A_237 : memref<1x128x128xf32, #tpu.memory_space<vmem>> -> memref<128x128xf32, #tpu.memory_space<vmem>>
      tpu.enqueue_dma source(%dma_start3A_238 : memref<128x128xf32, #tpu.memory_space<vmem>>) target(%dma_start3A_234 : memref<128x128xf32, #tpu.memory_space<hbm>>) target_semaphore(%arg14 : memref<!tpu.dma_semaphore, #tpu.memory_space<semaphore_mem>>)
      %add3A_239 = arith.constant 3 : i32
      %add3A_240 = arith.addi %add3A_211, %add3A_239 : i32
      %lt3A_241 = arith.constant 200 : i32
      %lt3A_242 = arith.cmpi slt, %add3A_240, %lt3A_241 : i32
      %convert_element_type3A_243 = arith.extui %lt3A_242 : i1 to i32
      %cond3A_244 = arith.constant 0 : i32
      %cond3A_245 = arith.cmpi ne, %convert_element_type3A_243, %cond3A_244 : i32
      scf.if %cond3A_245 {
        %ge3A = arith.constant 4 : i32
        %ge3A_246 = arith.cmpi sge, %add3A_240, %ge3A : i32
        %convert_element_type3A_247 = arith.extui %ge3A_246 : i1 to i32
        %cond3A_248 = arith.constant 0 : i32
        %cond3A_249 = arith.cmpi ne, %convert_element_type3A_247, %cond3A_248 : i32
        scf.if %cond3A_249 {
          %sub3A = arith.constant 4 : i32
          %sub3A_261 = arith.subi %add3A_240, %sub3A : i32
          %mul3A_262 = arith.constant 128 : i32
          %mul3A_263 = arith.muli %sub3A_261, %mul3A_262 : i32
          %add3A_264 = arith.addi %mul3A_2, %mul3A_263 : i32
          %dma_wait3A_265 = arith.constant 2 : i32
          %dma_wait3A_266 = arith.constant 0 : i32
          %dma_wait3A_267 = arith.constant 0 : i32
          %dma_wait3A_268 = tpu.memref_slice %arg6[%dma_wait3A_265, %dma_wait3A_266, %dma_wait3A_267] : memref<4x128x128xf32, #tpu.memory_space<vmem>> -> memref<1x128x128xf32, #tpu.memory_space<vmem>>
          %dma_wait3A_269 = tpu.memref_squeeze %dma_wait3A_268 : memref<1x128x128xf32, #tpu.memory_space<vmem>> -> memref<128x128xf32, #tpu.memory_space<vmem>>
          %dma_wait3A_270 = arith.constant 0 : i32
          %dma_wait3A_271 = tpu.memref_slice %arg4[%add3A_264, %dma_wait3A_270] : memref<819200x128xf32, #tpu.memory_space<hbm>> -> memref<128x128xf32, #tpu.memory_space<hbm>>
          %dma_wait3A_272 = arith.constant 0 : i32
          %dma_wait3A_273 = tpu.memref_slice %arg4[%add3A_264, %dma_wait3A_272] : memref<819200x128xf32, #tpu.memory_space<hbm>> -> memref<128x128xf32, #tpu.memory_space<hbm>>
          %dma_wait3A_274 = arith.constant 0 : i32
          %dma_wait3A_275 = arith.constant 0 : i32
          %dma_wait3A_276 = tpu.memref_slice %arg6[%dma_wait3A_265, %dma_wait3A_274, %dma_wait3A_275] : memref<4x128x128xf32, #tpu.memory_space<vmem>> -> memref<1x128x128xf32, #tpu.memory_space<vmem>>
          %dma_wait3A_277 = tpu.memref_squeeze %dma_wait3A_276 : memref<1x128x128xf32, #tpu.memory_space<vmem>> -> memref<128x128xf32, #tpu.memory_space<vmem>>
          tpu.wait_dma2 semaphore(%arg13 : memref<!tpu.dma_semaphore, #tpu.memory_space<semaphore_mem>>) src(%dma_wait3A_277 : memref<128x128xf32, #tpu.memory_space<vmem>>) dst(%dma_wait3A_273 : memref<128x128xf32, #tpu.memory_space<hbm>>)
        } else {
        }
        %mul3A_250 = arith.constant 128 : i32
        %mul3A_251 = arith.muli %add3A_240, %mul3A_250 : i32
        %dma_start3A_252 = arith.constant 2 : i32
        %dma_start3A_253 = arith.constant 0 : i32
        %dma_start3A_254 = arith.constant 0 : i32
        %dma_start3A_255 = tpu.memref_slice %arg6[%dma_start3A_252, %dma_start3A_253, %dma_start3A_254] : memref<4x128x128xf32, #tpu.memory_space<vmem>> -> memref<1x128x128xf32, #tpu.memory_space<vmem>>
        %dma_start3A_256 = tpu.memref_squeeze %dma_start3A_255 : memref<1x128x128xf32, #tpu.memory_space<vmem>> -> memref<128x128xf32, #tpu.memory_space<vmem>>
        %dma_start3A_257 = tpu.memref_slice %arg5[%mul3A_251] : memref<25600xi32, #tpu.memory_space<vmem>> -> memref<128xi32, #tpu.memory_space<vmem>>
        %dma_start3A_258 = arith.constant 0 : i32
        %dma_start3A_259 = arith.constant 0 : i32
        %dma_start3A_260 = tpu.memref_slice %arg3[%dma_start3A_258, %dma_start3A_259] : memref<1000000x128xf32, #tpu.memory_space<hbm>> -> memref<1000000x128xf32, #tpu.memory_space<hbm>>
        tpu.enqueue_indirect_dma source(%dma_start3A_260 : memref<1000000x128xf32, #tpu.memory_space<hbm>>) target(%dma_start3A_256 : memref<128x128xf32, #tpu.memory_space<vmem>>) offsets(%dma_start3A_257 : memref<128xi32, #tpu.memory_space<vmem>>) semaphore(%arg9 : memref<!tpu.dma_semaphore, #tpu.memory_space<semaphore_mem>>)
      } else {
      }
    }
    %scan3A_36 = arith.constant 50 : i32
    %add3A_37 = arith.constant 25088 : i32
    %add3A_38 = arith.addi %mul3A_2, %add3A_37 : i32
    %dma_wait3A = arith.constant 0 : i32
    %dma_wait3A_39 = arith.constant 0 : i32
    %dma_wait3A_40 = arith.constant 0 : i32
    %dma_wait3A_41 = tpu.memref_slice %arg6[%dma_wait3A, %dma_wait3A_39, %dma_wait3A_40] : memref<4x128x128xf32, #tpu.memory_space<vmem>> -> memref<1x128x128xf32, #tpu.memory_space<vmem>>
    %dma_wait3A_42 = tpu.memref_squeeze %dma_wait3A_41 : memref<1x128x128xf32, #tpu.memory_space<vmem>> -> memref<128x128xf32, #tpu.memory_space<vmem>>
    %dma_wait3A_43 = arith.constant 0 : i32
    %dma_wait3A_44 = tpu.memref_slice %arg4[%add3A_38, %dma_wait3A_43] : memref<819200x128xf32, #tpu.memory_space<hbm>> -> memref<128x128xf32, #tpu.memory_space<hbm>>
    %dma_wait3A_45 = arith.constant 0 : i32
    %dma_wait3A_46 = tpu.memref_slice %arg4[%add3A_38, %dma_wait3A_45] : memref<819200x128xf32, #tpu.memory_space<hbm>> -> memref<128x128xf32, #tpu.memory_space<hbm>>
    %dma_wait3A_47 = arith.constant 0 : i32
    %dma_wait3A_48 = arith.constant 0 : i32
    %dma_wait3A_49 = tpu.memref_slice %arg6[%dma_wait3A, %dma_wait3A_47, %dma_wait3A_48] : memref<4x128x128xf32, #tpu.memory_space<vmem>> -> memref<1x128x128xf32, #tpu.memory_space<vmem>>
    %dma_wait3A_50 = tpu.memref_squeeze %dma_wait3A_49 : memref<1x128x128xf32, #tpu.memory_space<vmem>> -> memref<128x128xf32, #tpu.memory_space<vmem>>
    tpu.wait_dma2 semaphore(%arg11 : memref<!tpu.dma_semaphore, #tpu.memory_space<semaphore_mem>>) src(%dma_wait3A_50 : memref<128x128xf32, #tpu.memory_space<vmem>>) dst(%dma_wait3A_46 : memref<128x128xf32, #tpu.memory_space<hbm>>)
    %add3A_51 = arith.constant 25216 : i32
    %add3A_52 = arith.addi %mul3A_2, %add3A_51 : i32
    %dma_wait3A_53 = arith.constant 1 : i32
    %dma_wait3A_54 = arith.constant 0 : i32
    %dma_wait3A_55 = arith.constant 0 : i32
    %dma_wait3A_56 = tpu.memref_slice %arg6[%dma_wait3A_53, %dma_wait3A_54, %dma_wait3A_55] : memref<4x128x128xf32, #tpu.memory_space<vmem>> -> memref<1x128x128xf32, #tpu.memory_space<vmem>>
    %dma_wait3A_57 = tpu.memref_squeeze %dma_wait3A_56 : memref<1x128x128xf32, #tpu.memory_space<vmem>> -> memref<128x128xf32, #tpu.memory_space<vmem>>
    %dma_wait3A_58 = arith.constant 0 : i32
    %dma_wait3A_59 = tpu.memref_slice %arg4[%add3A_52, %dma_wait3A_58] : memref<819200x128xf32, #tpu.memory_space<hbm>> -> memref<128x128xf32, #tpu.memory_space<hbm>>
    %dma_wait3A_60 = arith.constant 0 : i32
    %dma_wait3A_61 = tpu.memref_slice %arg4[%add3A_52, %dma_wait3A_60] : memref<819200x128xf32, #tpu.memory_space<hbm>> -> memref<128x128xf32, #tpu.memory_space<hbm>>
    %dma_wait3A_62 = arith.constant 0 : i32
    %dma_wait3A_63 = arith.constant 0 : i32
    %dma_wait3A_64 = tpu.memref_slice %arg6[%dma_wait3A_53, %dma_wait3A_62, %dma_wait3A_63] : memref<4x128x128xf32, #tpu.memory_space<vmem>> -> memref<1x128x128xf32, #tpu.memory_space<vmem>>
    %dma_wait3A_65 = tpu.memref_squeeze %dma_wait3A_64 : memref<1x128x128xf32, #tpu.memory_space<vmem>> -> memref<128x128xf32, #tpu.memory_space<vmem>>
    tpu.wait_dma2 semaphore(%arg12 : memref<!tpu.dma_semaphore, #tpu.memory_space<semaphore_mem>>) src(%dma_wait3A_65 : memref<128x128xf32, #tpu.memory_space<vmem>>) dst(%dma_wait3A_61 : memref<128x128xf32, #tpu.memory_space<hbm>>)
    %add3A_66 = arith.constant 25344 : i32
    %add3A_67 = arith.addi %mul3A_2, %add3A_66 : i32
    %dma_wait3A_68 = arith.constant 2 : i32
    %dma_wait3A_69 = arith.constant 0 : i32
    %dma_wait3A_70 = arith.constant 0 : i32
    %dma_wait3A_71 = tpu.memref_slice %arg6[%dma_wait3A_68, %dma_wait3A_69, %dma_wait3A_70] : memref<4x128x128xf32, #tpu.memory_space<vmem>> -> memref<1x128x128xf32, #tpu.memory_space<vmem>>
    %dma_wait3A_72 = tpu.memref_squeeze %dma_wait3A_71 : memref<1x128x128xf32, #tpu.memory_space<vmem>> -> memref<128x128xf32, #tpu.memory_space<vmem>>
    %dma_wait3A_73 = arith.constant 0 : i32
    %dma_wait3A_74 = tpu.memref_slice %arg4[%add3A_67, %dma_wait3A_73] : memref<819200x128xf32, #tpu.memory_space<hbm>> -> memref<128x128xf32, #tpu.memory_space<hbm>>
    %dma_wait3A_75 = arith.constant 0 : i32
    %dma_wait3A_76 = tpu.memref_slice %arg4[%add3A_67, %dma_wait3A_75] : memref<819200x128xf32, #tpu.memory_space<hbm>> -> memref<128x128xf32, #tpu.memory_space<hbm>>
    %dma_wait3A_77 = arith.constant 0 : i32
    %dma_wait3A_78 = arith.constant 0 : i32
    %dma_wait3A_79 = tpu.memref_slice %arg6[%dma_wait3A_68, %dma_wait3A_77, %dma_wait3A_78] : memref<4x128x128xf32, #tpu.memory_space<vmem>> -> memref<1x128x128xf32, #tpu.memory_space<vmem>>
    %dma_wait3A_80 = tpu.memref_squeeze %dma_wait3A_79 : memref<1x128x128xf32, #tpu.memory_space<vmem>> -> memref<128x128xf32, #tpu.memory_space<vmem>>
    tpu.wait_dma2 semaphore(%arg13 : memref<!tpu.dma_semaphore, #tpu.memory_space<semaphore_mem>>) src(%dma_wait3A_80 : memref<128x128xf32, #tpu.memory_space<vmem>>) dst(%dma_wait3A_76 : memref<128x128xf32, #tpu.memory_space<hbm>>)
    %add3A_81 = arith.constant 25472 : i32
    %add3A_82 = arith.addi %mul3A_2, %add3A_81 : i32
    %dma_wait3A_83 = arith.constant 3 : i32
    %dma_wait3A_84 = arith.constant 0 : i32
    %dma_wait3A_85 = arith.constant 0 : i32
    %dma_wait3A_86 = tpu.memref_slice %arg6[%dma_wait3A_83, %dma_wait3A_84, %dma_wait3A_85] : memref<4x128x128xf32, #tpu.memory_space<vmem>> -> memref<1x128x128xf32, #tpu.memory_space<vmem>>
    %dma_wait3A_87 = tpu.memref_squeeze %dma_wait3A_86 : memref<1x128x128xf32, #tpu.memory_space<vmem>> -> memref<128x128xf32, #tpu.memory_space<vmem>>
    %dma_wait3A_88 = arith.constant 0 : i32
    %dma_wait3A_89 = tpu.memref_slice %arg4[%add3A_82, %dma_wait3A_88] : memref<819200x128xf32, #tpu.memory_space<hbm>> -> memref<128x128xf32, #tpu.memory_space<hbm>>
    %dma_wait3A_90 = arith.constant 0 : i32
    %dma_wait3A_91 = tpu.memref_slice %arg4[%add3A_82, %dma_wait3A_90] : memref<819200x128xf32, #tpu.memory_space<hbm>> -> memref<128x128xf32, #tpu.memory_space<hbm>>
    %dma_wait3A_92 = arith.constant 0 : i32
    %dma_wait3A_93 = arith.constant 0 : i32
    %dma_wait3A_94 = tpu.memref_slice %arg6[%dma_wait3A_83, %dma_wait3A_92, %dma_wait3A_93] : memref<4x128x128xf32, #tpu.memory_space<vmem>> -> memref<1x128x128xf32, #tpu.memory_space<vmem>>
    %dma_wait3A_95 = tpu.memref_squeeze %dma_wait3A_94 : memref<1x128x128xf32, #tpu.memory_space<vmem>> -> memref<128x128xf32, #tpu.memory_space<vmem>>
    tpu.wait_dma2 semaphore(%arg14 : memref<!tpu.dma_semaphore, #tpu.memory_space<semaphore_mem>>) src(%dma_wait3A_95 : memref<128x128xf32, #tpu.memory_space<vmem>>) dst(%dma_wait3A_91 : memref<128x128xf32, #tpu.memory_space<hbm>>)
    return
  }
}

</mosaic_0001>

<sc_bundles>
// kernel: _emb.3.cloned.1.call-start
scs
__scs_entry_jumppad:
0x0: {  	(pc) =	sbr.rel $0x88, $3  }
0x1: {  	(tag) =	ssettag $0x0;
	lr =	simm.s32 $0x1  }
0x2: {  	[smem:$0x3F9F] =	sst lr;
	_ =	strace $0xD0000000  }
0x3: {  	_ = 	snop  }
0x4: {  	_ = 	snop  }
0x5: {  	_ = 	snop  }
0x6: {  	_ = 	snop  }
0x7: {  	_ = 	snop  }
__scs_overlays_trampoline_lowered:
0x8: {  	[smem:$0x3FAE] =	sst s0  }
0x9: {  	[smem:$0x3FAF] =	sst s1  }
0xa: {  	[smem:$0x3FB0] =	sst s2  }
0xb: {  	[smem:$0x3FB1] =	sst s3  }
0xc: {  	[smem:$0x3FB2] =	sst s4  }
0xd: {  	[smem:$0x3FB3] =	sst s5  }
0xe: {  	[smem:$0x3FB4] =	sst s6  }
0xf: {  	[smem:$0x3FB5] =	sst s7  }
0x10: {  	[smem:$0x3FB6] =	sst s8  }
0x11: {  	[smem:$0x3FB7] =	sst s9;
	s0 =	simm.s32 @!p0 $0x0  }
0x12: {  	s1 =	sld [smem:$0x3F9D];
	s0 =	simm.s32 @p0 $0x1  }
0x13: {  	[smem:$0x3FB8] =	sst s0;
	s0 =	simm.s32 @!p1 $0x0  }
0x14: {  	s2 =	sld [smem:$0x3F9C];
	s0 =	simm.s32 @p1 $0x1  }
0x15: {  	[smem:$0x3FB9] =	sst s0;
	s0 =	simm.s32 @!p2 $0x0  }
0x16: {  	s3 =	sld [smem:$0x3FDB];
	s0 =	simm.s32 @p2 $0x1  }
0x17: {  	s4 =	simm.s32 $0x1BF5;
	[smem:$0x3FBB] =	sst s0  }
0x18: {  	s0 =	sld [smem:$0x3F9E];
	_ =	swait.ge [sflag:s4], $0x0  }
0x19: {  	s7 =	sld [smem:$0x3F9F]  }
0x1a: {  	s8 =	sadd.s32 $0xFFFFE003, lr  }
0x1b: {  	s9 =	sadd.s32 $0xFFFFFEF7, lr;
	s5 =	simm.s32 $0xFFFFFFFF;
	p2 =	slt.u32 s8, $0xFFFFF086  }
0x1c: {  	p1 =	slt.u32 s9, $0xF7A;
	s5 =	simm.s32 @!p2 $0x0  }
0x1d: {  	s5 =	simm.s32 @p1 $0x1;
	p0 =	seq.s32 s7, s2  }
0x1e: {  	s7 =	smul.u32 @!p0 $0xF7A, s2;
	p2 =	seq.s32 @!p0 s5, $0x0  }
0x1f: {  	s9 =	smul.u32 $0xF7A, s1;
	s8 =	simm.s32 @!p0 $0x1BF5;
	p2 =	por !p2, p0  }
0x20: {  	[sflag:s8] =	ssyncset.s32 @!p0 $0xFFFFF086;
	s6 =	sadd.s32 @!p0 s3, s7;
	s7 =	simm.s32 @!p0 $0x108  }
0x21: {  	s3 =	sadd.s32 s3, s9;
	s6 =	sadd.s32 @!p0 $0x88, s6;
	s7 =	simm.s32 @p2 $0x1082  }
0x22: {  	[simem:s7], [sflag:s8] =	dma.local @!p0 [hbm:s6], $0xF7A  }
0x23: {  	s9 =	sor.u32 $0xD0000000, s2;
	s6 =	simm.s32 $0x108;
	_ =	swait.ge @!p0 [sflag:s8], $0x0  }
0x24: {  	s3 =	sadd.s32 $0x88, s3;
	s6 =	simm.s32 @!p1 $0x1082;
	[sflag:s4] =	ssyncset.s32 $0xFFFFF086  }
0x25: {  	[simem:s6], [sflag:s4] =	dma.local [hbm:s3], $0xF7A  }
0x26: {  	[smem:$0x3F9F] =	sst s1;
	(tag) =	ssettag s2;
	_ =	strace s9  }
0x27: {  	s1 =	sld [smem:$0x3FAF]  }
0x28: {  	s2 =	sld [smem:$0x3FB0]  }
0x29: {  	s4 =	sld [smem:$0x3FB2]  }
0x2a: {  	p0 =	seq.s32 s5, $0x0;
	s5 =	sld [smem:$0x3FB3]  }
0x2b: {  	s6 =	sld [smem:$0x3FB4]  }
0x2c: {  	s7 =	sld [smem:$0x3FB5]  }
0x2d: {  	s3 =	simm.s32 $0x108;
	s8 =	sld [smem:$0x3FB6]  }
0x2e: {  	s3 =	simm.s32 @!p0 $0x1082;
	s9 =	sld [smem:$0x3FB7]  }
0x2f: {  	lr =	sadd.s32 s0, s3;
	s0 =	sld [smem:$0x3FAE]  }
0x30: {  	s3 =	sld [smem:$0x3FB1]  }
0x31: {  	[smem:$0x3FBA] =	sst s10  }
0x32: {  	s10 =	sld [smem:$0x3FB8];
	_ =	sdelay $0x3  }
0x33: {  	p0 =	seq.s32 s10, $0x1;
	s10 =	sld [smem:$0x3FBA];
	_ =	sdelay $0x3  }
0x34: {  	[smem:$0x3FBA] =	sst s10  }
0x35: {  	s10 =	sld [smem:$0x3FB9];
	_ =	sdelay $0x3  }
0x36: {  	p1 =	seq.s32 s10, $0x1;
	s10 =	sld [smem:$0x3FBA];
	_ =	sdelay $0x3  }
0x37: {  	[smem:$0x3FBA] =	sst s10  }
0x38: {  	s10 =	sld [smem:$0x3FBB]  }
0x39: {  	_ = 	snop;
	(pc) =	sbr.ind lr, $3  }
0x3a: {  	_ = 	snop  }
0x3b: {  	_ = 	snop  }
0x3c: {  	p2 =	seq.s32 s10, $0x1;
	s10 =	sld [smem:$0x3FBA]  }
0x3d: {  	_ =	shalt  }
0x3e: {  	_ =	shalt  }
0x3f: {  	_ =	shalt  }
0x40: {  	_ =	shalt  }
0x41: {  	_ =	shalt  }
0x42: {  	_ =	shalt  }
0x43: {  	_ =	shalt  }
0x44: {  	_ =	shalt  }
0x45: {  	_ =	shalt  }
0x46: {  	_ =	shalt  }
0x47: {  	_ =	shalt  }
0x48: {  	_ =	shalt  }
0x49: {  	_ =	shalt  }
0x4a: {  	_ =	shalt  }
0x4b: {  	_ =	shalt  }
0x4c: {  	_ =	shalt  }
0x4d: {  	_ =	shalt  }
0x4e: {  	_ =	shalt  }
0x4f: {  	_ =	shalt  }
0x50: {  	_ =	shalt  }
0x51: {  	_ =	shalt  }
0x52: {  	_ =	shalt  }
0x53: {  	_ =	shalt  }
0x54: {  	_ =	shalt  }
0x55: {  	_ =	shalt  }
0x56: {  	_ =	shalt  }
0x57: {  	_ =	shalt  }
0x58: {  	_ =	shalt  }
0x59: {  	_ =	shalt  }
0x5a: {  	_ =	shalt  }
0x5b: {  	_ =	shalt  }
0x5c: {  	_ =	shalt  }
0x5d: {  	_ =	shalt  }
0x5e: {  	_ =	shalt  }
0x5f: {  	_ =	shalt  }
0x60: {  	_ =	shalt  }
0x61: {  	_ =	shalt  }
0x62: {  	_ =	shalt  }
0x63: {  	_ =	shalt  }
0x64: {  	_ =	shalt  }
0x65: {  	_ =	shalt  }
0x66: {  	_ =	shalt  }
0x67: {  	_ =	shalt  }
0x68: {  	_ =	shalt  }
0x69: {  	_ =	shalt  }
0x6a: {  	_ =	shalt  }
0x6b: {  	_ =	shalt  }
0x6c: {  	_ =	shalt  }
0x6d: {  	_ =	shalt  }
0x6e: {  	_ =	shalt  }
0x6f: {  	_ =	shalt  }
0x70: {  	_ =	shalt  }
0x71: {  	_ =	shalt  }
0x72: {  	_ =	shalt  }
0x73: {  	_ =	shalt  }
0x74: {  	_ =	shalt  }
0x75: {  	_ =	shalt  }
0x76: {  	_ =	shalt  }
0x77: {  	_ =	shalt  }
0x78: {  	_ =	shalt  }
0x79: {  	_ =	shalt  }
0x7a: {  	_ =	shalt  }
0x7b: {  	_ =	shalt  }
0x7c: {  	_ =	shalt  }
0x7d: {  	_ =	shalt  }
0x7e: {  	_ =	shalt  }
0x7f: {  	_ =	shalt  }
0x80: {  	_ =	shalt  }
0x81: {  	_ =	shalt  }
0x82: {  	_ =	shalt  }
0x83: {  	_ =	shalt  }
0x84: {  	_ =	shalt  }
0x85: {  	_ =	shalt  }
0x86: {  	_ =	shalt  }
0x87: {  	_ =	shalt  }
.Lfunc_end0:
.L_simem_size_0:
called_computation_lowered:
.L_overlay_start_0:
0x88: {  	s2 =	sld [smem:$0x3FD9]  }
0x89: {  	s3 =	sld [smem:$0x3FFE];
	_ =	sdelay $0x1  }
0x8a: {  	s1 =	srdreg.scid  }
0x8b: {  	s0 =	sand.u32 $0x1, s1  }
0x8c: {  	s18 =	sshll.u32 s0, $0xA;
	s2 =	sadd.s32 s3, s2  }
0x8d: {  	s2 =	sadd.s32 s2, s18  }
0x8e: {  	[smem:$0x3FC6] =	sst s2  }
0x8f: {  	_ = 	snop  }
0x90: {  	s2 =	sld [smem:$0x3FC9]  }
0x91: {  	s19 =	sld [smem:$0x3FC8]  }
0x92: {  	s4 =	sld [smem:$0x3FD0];
	(tm) =	ssettm $0x1  }
0x93: {  	s5 =	sld [smem:$0x3FFB];
	_ =	sdelay $0x3  }
0x94: {  	_ =	strace s5  }
0x95: {  	s5 =	sld [smem:$0x3FFC];
	_ =	sdelay $0x3  }
0x96: {  	_ =	strace s5  }
0x97: {  	s5 =	sld [smem:$0x3FFD];
	_ =	sdelay $0x3  }
0x98: {  	_ =	strace s5  }
0x99: {  	_ =	strace $0x8FFFFFFF  }
0x9a: {  	s20 =	sld [smem:$0x3FDB];
	_ =	sdelay $0x1  }
0x9b: {  	s6 =	simm.s32 $_scs_section_size  }
0x9c: {  	s7 =	simm.s32 $_size__tile_overlayer_lowered;
	s8 =	simm.s32 $_tile_overlayer_lowered  }
0x9d: {  	s23 =	simm.s32 $0x1BFF;
	s22 =	sshll.u32 s8, $0x1;
	s5 =	sadd.s32 s6, s20  }
0x9e: {  	s9 =	simm.s32 $0x0;
	s21 =	sshll.u32 s7, $0x1;
	s7 =	sadd.s32 s22, s5  }
0x9f: {  	[timem:s9], [sflag:s23] =	dma.local [hbm:s7], s21  }
0xa0: {  	_ =	swait.ge [sflag:s23], s21  }
0xa1: {  	s6 =	ssub.s32 $0x0, s21;
	[sflag:s23] =	ssyncset.done $0x0  }
0xa2: {  	[sflag:s23] =	ssyncadd.s32 s6;
	_ =	sdelay $0x1  }
0xa3: {  	s24 =	simm.s32 $0x1B8B  }
0xa4: {  	_ =	swait.ge [sflag:s24], $0x1  }
0xa5: {  	[sflag:s24] =	ssyncset.done $0x0  }
0xa6: {  	s25 =	simm.s32 $0x1B8E;
	[sflag:s24] =	ssyncadd.s32 $0xFFFFFFFF  }
0xa7: {  	s26 =	simm.s32 $execute0_lowered;
	[smem:$0x3FD2] =	sst s25  }
0xa8: {  	s6 =	sshll.u32 s26, $0x1;
	_ =	strace $0x80000046;
	[dreg:$0x1] =	wrdreg $0xFFFFFFFF  }
0xa9: {  	s28 =	simm.s32 $_size_execute0_lowered;
	s5 =	sadd.s32 s5, s6;
	[dreg:$0x0] =	wrdreg $0x0  }
0xaa: {  	s6 =	sshll.u32 s28, $0x1;
	[dreg:$0x2] =	wrdreg s5  }
0xab: {  	[dreg:$0x3] =	wrdreg s6  }
0xac: {  	[dreg:$0x4] =	wrdreg $0xC0  }
0xad: {  	_ =	task [dreg:s9], $0x5FFFF  }
0xae: {  	[dreg:$0x1] =	wrdreg $0xFFFFFFFF  }
0xaf: {  	[dreg:$0x0] =	wrdreg $0x60  }
0xb0: {  	[dreg:$0x2] =	wrdreg s2  }
0xb1: {  	[dreg:$0x3] =	wrdreg s19  }
0xb2: {  	[dreg:$0x4] =	wrdreg s4  }
0xb3: {  	[dreg:$0x5] =	wrdreg $0x9  }
0xb4: {  	_ =	task.clear_ibuf [dreg:s9], $0x6FFFF;
	_ =	strace $0x90000046  }
0xb5: {  	s29 =	simm.s32 $0x9;
	_ =	strace $0x80000048  }
0xb6: {  	_ =	swait.ge [sflag:s29], $0x1  }
0xb7: {  	[sflag:s29] =	ssyncadd.s32 $0xFFFFFFFF  }
0xb8: {  	_ =	strace $0x90000048  }
0xb9: {  	_ =	sfence  }
0xba: {  	s30 =	sld [smem:$0x0];
	_ =	sdelay $0x2  }
0xbb: {  	s31 =	sshll.u32 s1, $0xD;
	s1 =	sshrl.u32 s1, $0x2  }
0xbc: {  	s3 =	sand.u32 $0x4000, s31;
	s1 =	sadd.s32 s1, s30  }
0xbd: {  	s0 =	sor.u32 s3, s0;
	s1 =	sshll.u32 s1, $0x11  }
0xbe: {  	s0 =	sor.u32 s1, s0  }
0xbf: {  	s0 =	sadd.s32 $0x8F2B, s0  }
0xc0: {  	[sflag:s0] =	ssyncadd.remote.s32 $0x1  }
0xc1: {  	_ =	sfence.sel $0xFFFF  }
0xc2: {  	[dreg:$0x0] =	wrdreg $0xFFFFFFFF;
	(pc) =	sbr.abs _section_cstart, $3  }
0xc3: {  	[dreg:$0x1] =	wrdreg $0xFFFFFFFF  }
0xc4: {  	_ =	task.clear_ibuf [dreg:s9], $0x2FFFF;
	_ =	strace $0x9FFFFFFF  }
0xc5: {  	(tm) =	ssettm $0x7FFFFFFF  }
tec
execute0_lowered:
.L_overlay_start_1:
0x0: {  	(tag) =	ssettag $0x1  }
0x1: {  	s4 =	rddreg [dreg:$0x0];
	s1 =	srdreg.scid  }
0x2: {  	s0 =	stileid.u32;
	s2 =	rddreg [dreg:$0x1]  }
0x3: {  	s9 =	rddreg [dreg:$0x2];
	s3 =	simm.s32 $0x0;
	s12 =	simm.s32 $0x6400  }
0x4: {  	s13 =	simm.s32 $0xA400;
	s15 =	simm.s32 $0xE400;
	s16 =	simm.s32 $0x1  }
0x5: {  	s17 =	simm.s32 $0x12400;
	s18 =	simm.s32 $0x2;
	s19 =	simm.s32 $0x4  }
0x6: {  	s20 =	simm.s32 $0x5;
	s21 =	simm.s32 $0x6;
	s11 =	smul.u32 $0x640000, s0  }
0x7: {  	s22 =	simm.s32 $0x7;
	s6 =	sand.u32 $0x1, s1;
	s29 =	smul.u32 $0xC8000, s0  }
0x8: {  	s23 =	simm.s32 $0x8;
	s25 =	sshll.u32 s0, $0x1;
	s28 =	smul.u32 $0x320000, s6  }
0x9: {  	s24 =	simm.s32 $0x0;
	s5 =	sor.u32 s6, s25;
	s30 =	smul.u32 $0x64000, s6  }
0xa: {  	[smem:$0x7FF] =	sst s3;
	s8 =	ssub.s32 $0x2, s6;
	s7 =	smul.u32 $0x6400, s5  }
0xb: {  	_ =	strace $0x80000047;
	s10 =	smul.u32 $0x64000, s5;
	s26 =	sshrl.u32 s8, $0x1  }
0xc: {  	s5 =	ssub.s32 s8, s26;
	s8 =	sadd.s32 s28, s11;
	s7 =	sshrl.u32 s7, $0x3  }
.Ltmp0:
0xd: {  	s5 =	smax.u32 s5, $0x1;
	s10 =	sadd.s32 s9, s10;
	(pc) =	sbr.rel .LBB2_1-.Ltmp0, $4  }
0xe: {  	s31 =	sor.u32 $0xC000, s8;
	s8 =	sshrl.u32 s8, $0x3;
	s4 =	sadd.s32 s4, s7  }
0xf: {  	s6 =	sadd.s32 $0x63000, s10;
	s7 =	sadd.s32 s29, s9;
	s10 =	sshrl.u32 s31, $0x3  }
0x10: {  	s11 =	sadd.s32 s30, s7;
	s7 =	sadd.s32 s8, s9;
	s9 =	sadd.s32 s10, s9  }
0x11: {  	s10 =	simm.s32 $0x9;
	s8 =	sadd.s32 $0x1000, s11;
	s11 =	simm.s32 $0x80  }
.LBB2_4:
0x12: {  	_ =	swait.ge [sflag:s20], $0x4000  }
0x13: {  	[sflag:s20] =	ssyncset.done $0x0  }
0x14: {  	[sflag:s20] =	ssyncadd.s32 $0xFFFFC000  }
0x15: {  	_ =	swait.ge [sflag:s21], $0x4000  }
0x16: {  	[sflag:s21] =	ssyncset.done $0x0  }
0x17: {  	s24 =	sadd.s32 $0x1, s24;
	[sflag:s21] =	ssyncadd.s32 $0xFFFFC000  }
0x18: {  	p0 =	sne.s32 s24, s5;
	_ =	swait.ge [sflag:s22], $0x4000  }
.Ltmp1:
0x19: {  	[sflag:s22] =	ssyncset.done $0x0;
	(pc) =	sbr.rel @!p0 .LBB2_5-.Ltmp1, $4  }
0x1a: {  	[sflag:s22] =	ssyncadd.s32 $0xFFFFC000  }
0x1b: {  	_ =	swait.ge [sflag:s23], $0x4000  }
0x1c: {  	[sflag:s23] =	ssyncset.done $0x0  }
0x1d: {  	[sflag:s23] =	ssyncadd.s32 $0xFFFFC000  }
.LBB2_1:
0x1e: {  	[tilespmem:s3], [sflag:$0x9] =	stream.linear.gather [hbm4b:s4+s3], $0x6400, $0x38;
	[tilespmem:$0x16400] =	vst v63  }
0x1f: {  	_ =	swait.ge [sflag:s10], $0x6400  }
0x20: {  	[sflag:s10] =	ssyncset.done $0x0  }
0x21: {  	[sflag:s10] =	ssyncadd.s32 $0xFFFF9C00  }
0x22: {  	[tilespmem:s12], [sflag:$0x1] =	stream.indirect.gather [hbm4b:s2+s11], $0x80, s3, s11, $0xb8;
	[tilespmem:$0x16400] =	vst v63  }
0x23: {  	s0 =	simm.s32 $0x100;
	s25 =	smov.u32 s9  }
0x24: {  	[tilespmem:s13], [sflag:$0x2] =	stream.indirect.gather [hbm4b:s2+s11], $0x80, s11, s11, $0xb8;
	[tilespmem:$0x16400] =	vst v63  }
0x25: {  	s26 =	smov.u32 s8;
	s28 =	smov.u32 s7;
	s29 =	simm.s32 $0x0  }
0x26: {  	[tilespmem:s15], [sflag:$0x3] =	stream.indirect.gather [hbm4b:s2+s11], $0x80, s0, s11, $0xb8;
	[tilespmem:$0x16400] =	vst v63  }
.LBB2_2:
0x27: {  	_ =	swait.ge [sflag:s16], $0x4000  }
0x28: {  	p0 =	seq.s32 s29, $0x0;
	[sflag:s16] =	ssyncset.done $0x0  }
0x29: {  	s31 =	simm.s32 @!p0 $0x8;
	[sflag:s16] =	ssyncadd.s32 $0xFFFFC000  }
0x2a: {  	[hbm4b:s28+s3] =	stream.linear.scatter [tilespmem:s12], [sflag:$0x5], $0x4000, $0x38;
	[tilespmem:$0x16400] =	vst v63  }
0x2b: {  	_ =	swait.ge @!p0 [sflag:s31], $0x4000  }
0x2c: {  	s30 =	sshra.s32 s29, $0x2;
	[sflag:s31] =	ssyncset.done @!p0 $0x0  }
0x2d: {  	s1 =	sadd.s32 $0x180, s30;
	[sflag:s31] =	ssyncadd.s32 @!p0 $0xFFFFC000  }
0x2e: {  	[tilespmem:s17], [sflag:$0x4] =	stream.indirect.gather [hbm4b:s2+s11], $0x80, s1, s11, $0xb8;
	[tilespmem:$0x16400] =	vst v63  }
0x2f: {  	_ =	swait.ge [sflag:s18], $0x4000  }
0x30: {  	p0 =	seq.s32 s29, $0x18800;
	[sflag:s18] =	ssyncset.done $0x0  }
0x31: {  	s14 =	sadd.s32 $0xFFFFF800, s26;
	s31 =	simm.s32 @p0 $0x3;
	[sflag:s18] =	ssyncadd.s32 $0xFFFFC000  }
0x32: {  	[hbm4b:s14+s3] =	stream.linear.scatter [tilespmem:s13], [sflag:$0x6], $0x4000, $0x38;
	[tilespmem:$0x16400] =	vst v63  }
0x33: {  	_ =	swait.ge @p0 [sflag:s31], $0x4000  }
0x34: {  	[sflag:s31] =	ssyncset.done @p0 $0x0  }
0x35: {  	s1 =	simm.s32 @p0 $0xE400;
	[sflag:s31] =	ssyncadd.s32 @p0 $0xFFFFC000;
	s31 =	simm.s32 @p0 $0x0  }
0x36: {  	[hbm4b:s6+s31] =	stream.linear.scatter @p0 [tilespmem:s1], [sflag:$0x7], $0x4000, $0x38;
	[tilespmem:$0x16400] =	vst v63  }
0x37: {  	s1 =	simm.s32 @!p0 $0x5  }
0x38: {  	_ =	swait.ge @!p0 [sflag:s1], $0x4000  }
0x39: {  	[sflag:s1] =	ssyncset.done @!p0 $0x0  }
0x3a: {  	[sflag:s1] =	ssyncadd.s32 @!p0 $0xFFFFC000;
	s1 =	sshra.s32 @!p0 s29, $0x2  }
0x3b: {  	s0 =	simm.s32 @!p0 $0x80;
	s14 =	simm.s32 @!p0 $0x6400;
	s31 =	sadd.s32 @!p0 $0x200, s1  }
0x3c: {  	[tilespmem:s14], [sflag:$0x1] =	stream.indirect.gather @!p0 [hbm4b:s2+s0], $0x80, s31, s0, $0xb8;
	[tilespmem:$0x16400] =	vst v63  }
0x3d: {  	s14 =	simm.s32 @!p0 $0x3  }
0x3e: {  	_ =	swait.ge @!p0 [sflag:s14], $0x4000  }
0x3f: {  	[sflag:s14] =	ssyncset.done @!p0 $0x0  }
0x40: {  	s31 =	simm.s32 @!p0 $0xE400;
	[sflag:s14] =	ssyncadd.s32 @!p0 $0xFFFFC000;
	s14 =	simm.s32 @!p0 $0x0  }
0x41: {  	[hbm4b:s26+s14] =	stream.linear.scatter @!p0 [tilespmem:s31], [sflag:$0x7], $0x4000, $0x38;
	[tilespmem:$0x16400] =	vst v63  }
0x42: {  	s14 =	simm.s32 @!p0 $0x6  }
0x43: {  	_ =	swait.ge @!p0 [sflag:s14], $0x4000  }
0x44: {  	[sflag:s14] =	ssyncset.done @!p0 $0x0  }
0x45: {  	s1 =	sadd.s32 @!p0 $0x280, s1;
	[sflag:s14] =	ssyncadd.s32 @!p0 $0xFFFFC000;
	s14 =	simm.s32 @!p0 $0xA400  }
0x46: {  	[tilespmem:s14], [sflag:$0x2] =	stream.indirect.gather @!p0 [hbm4b:s2+s0], $0x80, s1, s0, $0xb8;
	[tilespmem:$0x16400] =	vst v63  }
.Ltmp2:
0x47: {  	_ = 	snop;
	(pc) =	sbr.rel @p0 .LBB2_4-.Ltmp2, $4  }
0x48: {  	_ =	swait.ge [sflag:s19], $0x4000  }
0x49: {  	[sflag:s19] =	ssyncset.done $0x0  }
0x4a: {  	[sflag:s19] =	ssyncadd.s32 $0xFFFFC000  }
0x4b: {  	[hbm4b:s25+s3] =	stream.linear.scatter [tilespmem:s17], [sflag:$0x8], $0x4000, $0x38;
	[tilespmem:$0x16400] =	vst v63  }
.Ltmp3:
0x4c: {  	(pc) =	sbr.rel .LBB2_2-.Ltmp3, $4  }
0x4d: {  	_ =	swait.ge [sflag:s22], $0x4000;
	s0 =	sadd.s32 $0x300, s30  }
0x4e: {  	s29 =	sadd.s32 $0x800, s29;
	s28 =	sadd.s32 $0x2000, s28;
	[sflag:s22] =	ssyncset.done $0x0  }
0x4f: {  	s26 =	sadd.s32 $0x2000, s26;
	s25 =	sadd.s32 $0x2000, s25;
	[sflag:s22] =	ssyncadd.s32 $0xFFFFC000  }
0x50: {  	[tilespmem:s15], [sflag:$0x3] =	stream.indirect.gather [hbm4b:s2+s11], $0x80, s0, s11, $0xb8;
	[tilespmem:$0x16400] =	vst v63  }
.LBB2_5:
0x51: {  	_ =	sfence.sel $0x180000  }
0x52: {  	[bflag:$0x0] =	sbarrier.arrive $0xFFFF  }
0x53: {  	_ =	strace $0x90000047  }
0x54: {  	s0 =	stileid.u32;
	[bflag:$0x2] =	sbarrier.arrive $0xFFFF  }
0x55: {  	p0 =	sne.s32 s0, $0x0;
	s0 =	rddreg [dreg:$0x3]  }
0x56: {  	s0 =	sadd.s32 @!p0 $0x100000, s0  }
0x57: {  	[sflag:s0] =	ssyncadd.tile.s32 @!p0 $0x1;
	_ =	shalt  }
.Lfunc_end2:
_tile_overlayer_lowered:
.L_overlay_start_2:
0x58: {  	(tag) =	ssettag $0x2  }
0x59: {  	s0 =	rddreg [dreg:$0x0];
	s2 =	stileid.u32  }
0x5a: {  	s1 =	rddreg [dreg:$0x1];
	p0 =	sne.s32 s2, $0x0  }
0x5b: {  	s3 =	rddreg [dreg:$0x2];
	[bflag:$0x3] =	sbarrier.arrive $0xFFFF;
	s2 =	simm.s32 @!p0 $0x1C09  }
0x5c: {  	[timem:s3], [sflag:s2] =	dma.local @!p0 [hbm:s0], s1  }
0x5d: {  	s0 =	simm.s32 @!p0 $0x9  }
0x5e: {  	_ =	swait.ge @!p0 [sflag:s0], s1  }
0x5f: {  	s1 =	ssub.s32 @!p0 $0x0, s1;
	[sflag:s0] =	ssyncset.done @!p0 $0x0  }
0x60: {  	[sflag:s0] =	ssyncadd.s32 @!p0 s1  }
0x61: {  	[bflag:$0x3] =	sbarrier.arrive $0xFFFF  }
0x62: {  	_ =	shalt  }

</sc_bundles>
